<compile_context>
chip_gen: v7x
topology: tpu7x:2x2x1
jax: 0.10.2.dev20260603
libtpu: 0.0.44.dev20260713+nightly
codegen_flags: <defaults>
</compile_context>

<pallas_src>
import jax
import jax.numpy as jnp
from jax.experimental import pallas as pl
from jax.experimental.pallas import tpu as pltpu

_EPS = 1e-10
_MIN_EXP = -8
_NUM_EMB = 24
_OUT_D = 128
_EXP_D = 32
_LN10 = 2.302585092994046


def _body(x_ref, thl_ref, q2pad_ref, out_ref):
    x = x_ref[...]
    e = jnp.floor(jnp.log10(x + _EPS))
    m2 = 2.0 * (x / jnp.exp(e * _LN10))
    idx = jnp.clip(e.astype(jnp.int32) - _MIN_EXP, 0, _NUM_EMB - 1)
    mt = jnp.transpose(m2)
    it = jnp.transpose(idx.astype(jnp.float32))
    q2 = q2pad_ref[...]
    thl = thl_ref[...]
    lanes = jax.lax.broadcasted_iota(jnp.int32, (128, 2 * _NUM_EMB), 1)
    for r in range(8):
        mcol = jax.lax.broadcast_in_dim(mt[:, r], (128, _OUT_D), (0,))
        icol = it[:, r].astype(jnp.int32)
        icol = jax.lax.broadcast_in_dim(icol, (128, 2 * _NUM_EMB), (0,))
        onehot = ((lanes == icol) |
                  (lanes == icol + _NUM_EMB)).astype(jnp.bfloat16)
        exp_part = jax.lax.dot_general(
            onehot, thl, (((1,), (0,)), ((), ())),
            preferred_element_type=jnp.float32)
        t = mcol - q2
        out_ref[r * 128:(r + 1) * 128, :] = exp_part + jnp.exp(-(t * t))


@jax.jit
def kernel(numbers, table, q_values):
    b, s = numbers.shape
    n = b * s
    x = numbers.reshape(n // _OUT_D, _OUT_D)
    hi = table.astype(jnp.bfloat16)
    lo = (table - hi.astype(jnp.float32)).astype(jnp.bfloat16)
    thl = jnp.zeros((2 * _NUM_EMB, _OUT_D), jnp.bfloat16)
    thl = thl.at[:_NUM_EMB, :_EXP_D].set(hi).at[_NUM_EMB:, :_EXP_D].set(lo)
    q2pad = jnp.concatenate(
        [jnp.full((_EXP_D,), 1e30, jnp.float32), 2.0 * q_values]
    ).reshape(1, _OUT_D)

    rows = 1024
    grid = (n // rows,)
    out = pl.pallas_call(
        _body,
        grid=grid,
        in_specs=[
            pl.BlockSpec((8, _OUT_D), lambda i: (i, 0)),
            pl.BlockSpec((2 * _NUM_EMB, _OUT_D), lambda i: (0, 0)),
            pl.BlockSpec((1, _OUT_D), lambda i: (0, 0)),
        ],
        out_specs=pl.BlockSpec((rows, _OUT_D), lambda i: (i, 0)),
        out_shape=jax.ShapeDtypeStruct((n, _OUT_D), jnp.float32),
        compiler_params=pltpu.CompilerParams(
            dimension_semantics=("arbitrary",)),
    )(x, thl, q2pad)
    return out.reshape(b, s, _OUT_D)

# --- scband reference (transcript-rebuilt; emitter-appended) ---
"""Pipeline reference for scband-prototype-based-embedding-14362370638402 (READ-ONLY COPY).

The authoritative reference and input builder live on the scoring server;
editing this copy changes nothing except your own understanding.
"""

import jax, jax.numpy as jnp
import numpy as np

EPS = 1e-10
MIN_EXP = -8
MAX_EXP = 15
NUM_EMB = MAX_EXP - MIN_EXP + 1  # 24
OUTPUT_DIM = 128
EXP_DIM = OUTPUT_DIM // 4        # 32
MANTISSA_DIM = 3 * OUTPUT_DIM // 4  # 96
SIGMA = 0.5


def setup_inputs(seed: int = 0) -> dict:
    key = jax.random.key(seed)
    k1, k2 = jax.random.split(key)
    numbers = jax.random.uniform(k1, (16384, 50), dtype=jnp.float32)
    table = jax.random.normal(k2, (NUM_EMB, EXP_DIM), dtype=jnp.float32)
    q_values = 20.0 / (MANTISSA_DIM - 1) * jnp.arange(MANTISSA_DIM, dtype=jnp.float32) - 10.0
    return {"numbers": numbers, "table": table, "q_values": q_values}


def reference(numbers, table, q_values):
    exp_bases = jnp.floor(jnp.log10(numbers + EPS))
    exp_indexes = jnp.clip(exp_bases.astype(jnp.int32) - MIN_EXP, 0, NUM_EMB - 1)
    mantissa = numbers / jnp.power(jnp.float32(10.0), exp_bases)
    mantissa_embedding = jnp.exp(-(((mantissa[:, :, None] - q_values[None, :]) / SIGMA) ** 2))
    exp_embedding = jnp.take(table, exp_indexes, axis=0)
    return jnp.concatenate([exp_embedding, mantissa_embedding], axis=-1)

if __name__ == "__main__":
    import jax
    _d = setup_inputs()
    print(jax.jit(kernel)(*tuple(_d.values())))

</pallas_src>

<mosaic_0001>
module attributes {stable_mosaic.version = 14 : i64} {
  func.func @_body(%arg0: i32, %arg1: memref<8x128xf32, #tpu.memory_space<vmem>>, %arg2: memref<48x128xbf16, #tpu.memory_space<vmem>>, %arg3: memref<1x128xf32, #tpu.memory_space<vmem>>, %arg4: memref<1024x128xf32, #tpu.memory_space<vmem>>) attributes {dimension_semantics = [#tpu.dimension_semantics<arbitrary>], iteration_bounds = array<i64: 800>, scalar_prefetch = 0 : i64, scratch_operands = 0 : i64, tpu.core_type = #tpu.core_type<tc>, window_params = [{transform_indices = @transform_0, window_bounds = array<i64: 8, 128>}, {pipeline_mode = #tpu.pipeline_mode<synchronous>, transform_indices = @transform_1, window_bounds = array<i64: 48, 128>}, {pipeline_mode = #tpu.pipeline_mode<synchronous>, transform_indices = @transform_2, window_bounds = array<i64: 1, 128>}, {transform_indices = @transform_3, window_bounds = array<i64: 1024, 128>}]} {
    %get3A = arith.constant 0 : index
    %get3A_0 = arith.constant 0 : index
    %get3A_1 = vector.load %arg1[%get3A, %get3A_0] : memref<8x128xf32, #tpu.memory_space<vmem>>, vector<8x128xf32>
    %add3A = arith.constant 1.000000e-10 : f32
    %add3A_2 = vector.broadcast %add3A : f32 to vector<8x128xf32>
    %add3A_3 = arith.addf %get3A_1, %add3A_2 : vector<8x128xf32>
    %log3A = math.log %add3A_3 : vector<8x128xf32>
    %mul3A = arith.constant 0.434294492 : f32
    %mul3A_4 = vector.broadcast %mul3A : f32 to vector<8x128xf32>
    %mul3A_5 = arith.mulf %log3A, %mul3A_4 : vector<8x128xf32>
    %floor3A = math.floor %mul3A_5 : vector<8x128xf32>
    %mul3A_6 = arith.constant 2.30258512 : f32
    %mul3A_7 = vector.broadcast %mul3A_6 : f32 to vector<8x128xf32>
    %mul3A_8 = arith.mulf %floor3A, %mul3A_7 : vector<8x128xf32>
    %exp3A = math.exp %mul3A_8 : vector<8x128xf32>
    %div3A = arith.divf %get3A_1, %exp3A : vector<8x128xf32>
    %mul3A_9 = arith.constant 2.000000e+00 : f32
    %mul3A_10 = vector.broadcast %mul3A_9 : f32 to vector<8x128xf32>
    %mul3A_11 = arith.mulf %mul3A_10, %div3A : vector<8x128xf32>
    %convert_element_type3A = arith.fptosi %floor3A : vector<8x128xf32> to vector<8x128xi32>
    %sub3A = arith.constant -8 : i32
    %sub3A_12 = vector.broadcast %sub3A : i32 to vector<8x128xi32>
    %sub3A_13 = arith.subi %convert_element_type3A, %sub3A_12 : vector<8x128xi32>
    %jit3A = arith.constant 0 : i32
    %jit3A_14 = arith.constant 23 : i32
    %max3A = vector.broadcast %jit3A : i32 to vector<8x128xi32>
    %max3A_15 = arith.maxsi %max3A, %sub3A_13 : vector<8x128xi32>
    %min3A = vector.broadcast %jit3A_14 : i32 to vector<8x128xi32>
    %min3A_16 = arith.minsi %min3A, %max3A_15 : vector<8x128xi32>
    %transpose3A = tpu.transpose %mul3A_11, [1, 0] : vector<8x128xf32> -> vector<128x8xf32>
    %convert_element_type3A_17 = arith.sitofp %min3A_16 : vector<8x128xi32> to vector<8x128xf32>
    %transpose3A_18 = tpu.transpose %convert_element_type3A_17, [1, 0] : vector<8x128xf32> -> vector<128x8xf32>
    %get3A_19 = arith.constant 0 : index
    %get3A_20 = arith.constant 0 : index
    %get3A_21 = vector.load %arg3[%get3A_19, %get3A_20] : memref<1x128xf32, #tpu.memory_space<vmem>>, vector<1x128xf32>
    %get3A_22 = arith.constant 0 : index
    %get3A_23 = arith.constant 0 : index
    %get3A_24 = vector.load %arg2[%get3A_22, %get3A_23] : memref<48x128xbf16, #tpu.memory_space<vmem>>, vector<48x128xbf16>
    %iota3A = tpu.iota {dimensions = array<i32: 1>} : vector<128x48xi32>
    %slice3A = vector.extract_strided_slice %transpose3A {offsets = [0, 0], sizes = [128, 1], strides = [1, 1]} : vector<128x8xf32> to vector<128x1xf32>
    %squeeze3A = vector.shape_cast %slice3A : vector<128x1xf32> to vector<128xf32>
    %broadcast_in_dim3A = vector.shape_cast %squeeze3A : vector<128xf32> to vector<128x1xf32>
    %broadcast_in_dim3A_25 = vector.broadcast %broadcast_in_dim3A : vector<128x1xf32> to vector<128x128xf32>
    %slice3A_26 = vector.extract_strided_slice %transpose3A_18 {offsets = [0, 0], sizes = [128, 1], strides = [1, 1]} : vector<128x8xf32> to vector<128x1xf32>
    %squeeze3A_27 = vector.shape_cast %slice3A_26 : vector<128x1xf32> to vector<128xf32>
    %convert_element_type3A_28 = arith.fptosi %squeeze3A_27 : vector<128xf32> to vector<128xi32>
    %broadcast_in_dim3A_29 = vector.shape_cast %convert_element_type3A_28 : vector<128xi32> to vector<128x1xi32>
    %broadcast_in_dim3A_30 = vector.broadcast %broadcast_in_dim3A_29 : vector<128x1xi32> to vector<128x48xi32>
    %eq3A = arith.cmpi eq, %iota3A, %broadcast_in_dim3A_30 : vector<128x48xi32>
    %add3A_31 = arith.constant 24 : i32
    %add3A_32 = vector.broadcast %add3A_31 : i32 to vector<128x48xi32>
    %add3A_33 = arith.addi %broadcast_in_dim3A_30, %add3A_32 : vector<128x48xi32>
    %eq3A_34 = arith.cmpi eq, %iota3A, %add3A_33 : vector<128x48xi32>
    %or3A = arith.ori %eq3A, %eq3A_34 : vector<128x48xi1>
    %convert_element_type3A_35 = arith.extui %or3A : vector<128x48xi1> to vector<128x48xi32>
    %convert_element_type3A_36 = arith.sitofp %convert_element_type3A_35 : vector<128x48xi32> to vector<128x48xf32>
    %convert_element_type3A_37 = arith.truncf %convert_element_type3A_36 : vector<128x48xf32> to vector<128x48xbf16>
    %dot_general3A = arith.constant dense<0.000000e+00> : vector<128x128xf32>
    %dot_general3A_38 = tpu.matmul %convert_element_type3A_37, %get3A_24, %dot_general3A {dimension_numbers = #tpu.dot_dimension_numbers<[1], [0], [0], [1], [0, 0, 1, 1], [], []>, transpose_lhs_hint = false} : vector<128x48xbf16>, vector<48x128xbf16>, vector<128x128xf32> -> vector<128x128xf32>
    %sub3A_39 = vector.broadcast %get3A_21 : vector<1x128xf32> to vector<128x128xf32>
    %sub3A_40 = arith.subf %broadcast_in_dim3A_25, %sub3A_39 : vector<128x128xf32>
    %mul3A_41 = arith.mulf %sub3A_40, %sub3A_40 : vector<128x128xf32>
    %neg3A = arith.constant 0.000000e+00 : f32
    %neg3A_42 = vector.broadcast %neg3A : f32 to vector<128x128xf32>
    %neg3A_43 = arith.subf %neg3A_42, %mul3A_41 : vector<128x128xf32>
    %exp3A_44 = math.exp %neg3A_43 : vector<128x128xf32>
    %add3A_45 = arith.addf %dot_general3A_38, %exp3A_44 : vector<128x128xf32>
    %swap3A = arith.constant 0 : index
    %swap3A_46 = arith.constant 0 : index
    %swap3A_47 = vector.load %arg4[%swap3A, %swap3A_46] : memref<1024x128xf32, #tpu.memory_space<vmem>>, vector<128x128xf32>
    tpu.vector_store %arg4[%swap3A, %swap3A_46], %add3A_45 {strides = array<i32>} : memref<1024x128xf32, #tpu.memory_space<vmem>>, vector<128x128xf32>,
    %slice3A_48 = vector.extract_strided_slice %transpose3A {offsets = [0, 1], sizes = [128, 1], strides = [1, 1]} : vector<128x8xf32> to vector<128x1xf32>
    %squeeze3A_49 = vector.shape_cast %slice3A_48 : vector<128x1xf32> to vector<128xf32>
    %broadcast_in_dim3A_50 = vector.shape_cast %squeeze3A_49 : vector<128xf32> to vector<128x1xf32>
    %broadcast_in_dim3A_51 = vector.broadcast %broadcast_in_dim3A_50 : vector<128x1xf32> to vector<128x128xf32>
    %slice3A_52 = vector.extract_strided_slice %transpose3A_18 {offsets = [0, 1], sizes = [128, 1], strides = [1, 1]} : vector<128x8xf32> to vector<128x1xf32>
    %squeeze3A_53 = vector.shape_cast %slice3A_52 : vector<128x1xf32> to vector<128xf32>
    %convert_element_type3A_54 = arith.fptosi %squeeze3A_53 : vector<128xf32> to vector<128xi32>
    %broadcast_in_dim3A_55 = vector.shape_cast %convert_element_type3A_54 : vector<128xi32> to vector<128x1xi32>
    %broadcast_in_dim3A_56 = vector.broadcast %broadcast_in_dim3A_55 : vector<128x1xi32> to vector<128x48xi32>
    %eq3A_57 = arith.cmpi eq, %iota3A, %broadcast_in_dim3A_56 : vector<128x48xi32>
    %add3A_58 = arith.constant 24 : i32
    %add3A_59 = vector.broadcast %add3A_58 : i32 to vector<128x48xi32>
    %add3A_60 = arith.addi %broadcast_in_dim3A_56, %add3A_59 : vector<128x48xi32>
    %eq3A_61 = arith.cmpi eq, %iota3A, %add3A_60 : vector<128x48xi32>
    %or3A_62 = arith.ori %eq3A_57, %eq3A_61 : vector<128x48xi1>
    %convert_element_type3A_63 = arith.extui %or3A_62 : vector<128x48xi1> to vector<128x48xi32>
    %convert_element_type3A_64 = arith.sitofp %convert_element_type3A_63 : vector<128x48xi32> to vector<128x48xf32>
    %convert_element_type3A_65 = arith.truncf %convert_element_type3A_64 : vector<128x48xf32> to vector<128x48xbf16>
    %dot_general3A_66 = arith.constant dense<0.000000e+00> : vector<128x128xf32>
    %dot_general3A_67 = tpu.matmul %convert_element_type3A_65, %get3A_24, %dot_general3A_66 {dimension_numbers = #tpu.dot_dimension_numbers<[1], [0], [0], [1], [0, 0, 1, 1], [], []>, transpose_lhs_hint = false} : vector<128x48xbf16>, vector<48x128xbf16>, vector<128x128xf32> -> vector<128x128xf32>
    %sub3A_68 = vector.broadcast %get3A_21 : vector<1x128xf32> to vector<128x128xf32>
    %sub3A_69 = arith.subf %broadcast_in_dim3A_51, %sub3A_68 : vector<128x128xf32>
    %mul3A_70 = arith.mulf %sub3A_69, %sub3A_69 : vector<128x128xf32>
    %neg3A_71 = arith.constant 0.000000e+00 : f32
    %neg3A_72 = vector.broadcast %neg3A_71 : f32 to vector<128x128xf32>
    %neg3A_73 = arith.subf %neg3A_72, %mul3A_70 : vector<128x128xf32>
    %exp3A_74 = math.exp %neg3A_73 : vector<128x128xf32>
    %add3A_75 = arith.addf %dot_general3A_67, %exp3A_74 : vector<128x128xf32>
    %swap3A_76 = arith.constant 128 : index
    %swap3A_77 = arith.constant 0 : index
    %swap3A_78 = vector.load %arg4[%swap3A_76, %swap3A_77] : memref<1024x128xf32, #tpu.memory_space<vmem>>, vector<128x128xf32>
    tpu.vector_store %arg4[%swap3A_76, %swap3A_77], %add3A_75 {strides = array<i32>} : memref<1024x128xf32, #tpu.memory_space<vmem>>, vector<128x128xf32>,
    %slice3A_79 = vector.extract_strided_slice %transpose3A {offsets = [0, 2], sizes = [128, 1], strides = [1, 1]} : vector<128x8xf32> to vector<128x1xf32>
    %squeeze3A_80 = vector.shape_cast %slice3A_79 : vector<128x1xf32> to vector<128xf32>
    %broadcast_in_dim3A_81 = vector.shape_cast %squeeze3A_80 : vector<128xf32> to vector<128x1xf32>
    %broadcast_in_dim3A_82 = vector.broadcast %broadcast_in_dim3A_81 : vector<128x1xf32> to vector<128x128xf32>
    %slice3A_83 = vector.extract_strided_slice %transpose3A_18 {offsets = [0, 2], sizes = [128, 1], strides = [1, 1]} : vector<128x8xf32> to vector<128x1xf32>
    %squeeze3A_84 = vector.shape_cast %slice3A_83 : vector<128x1xf32> to vector<128xf32>
    %convert_element_type3A_85 = arith.fptosi %squeeze3A_84 : vector<128xf32> to vector<128xi32>
    %broadcast_in_dim3A_86 = vector.shape_cast %convert_element_type3A_85 : vector<128xi32> to vector<128x1xi32>
    %broadcast_in_dim3A_87 = vector.broadcast %broadcast_in_dim3A_86 : vector<128x1xi32> to vector<128x48xi32>
    %eq3A_88 = arith.cmpi eq, %iota3A, %broadcast_in_dim3A_87 : vector<128x48xi32>
    %add3A_89 = arith.constant 24 : i32
    %add3A_90 = vector.broadcast %add3A_89 : i32 to vector<128x48xi32>
    %add3A_91 = arith.addi %broadcast_in_dim3A_87, %add3A_90 : vector<128x48xi32>
    %eq3A_92 = arith.cmpi eq, %iota3A, %add3A_91 : vector<128x48xi32>
    %or3A_93 = arith.ori %eq3A_88, %eq3A_92 : vector<128x48xi1>
    %convert_element_type3A_94 = arith.extui %or3A_93 : vector<128x48xi1> to vector<128x48xi32>
    %convert_element_type3A_95 = arith.sitofp %convert_element_type3A_94 : vector<128x48xi32> to vector<128x48xf32>
    %convert_element_type3A_96 = arith.truncf %convert_element_type3A_95 : vector<128x48xf32> to vector<128x48xbf16>
    %dot_general3A_97 = arith.constant dense<0.000000e+00> : vector<128x128xf32>
    %dot_general3A_98 = tpu.matmul %convert_element_type3A_96, %get3A_24, %dot_general3A_97 {dimension_numbers = #tpu.dot_dimension_numbers<[1], [0], [0], [1], [0, 0, 1, 1], [], []>, transpose_lhs_hint = false} : vector<128x48xbf16>, vector<48x128xbf16>, vector<128x128xf32> -> vector<128x128xf32>
    %sub3A_99 = vector.broadcast %get3A_21 : vector<1x128xf32> to vector<128x128xf32>
    %sub3A_100 = arith.subf %broadcast_in_dim3A_82, %sub3A_99 : vector<128x128xf32>
    %mul3A_101 = arith.mulf %sub3A_100, %sub3A_100 : vector<128x128xf32>
    %neg3A_102 = arith.constant 0.000000e+00 : f32
    %neg3A_103 = vector.broadcast %neg3A_102 : f32 to vector<128x128xf32>
    %neg3A_104 = arith.subf %neg3A_103, %mul3A_101 : vector<128x128xf32>
    %exp3A_105 = math.exp %neg3A_104 : vector<128x128xf32>
    %add3A_106 = arith.addf %dot_general3A_98, %exp3A_105 : vector<128x128xf32>
    %swap3A_107 = arith.constant 256 : index
    %swap3A_108 = arith.constant 0 : index
    %swap3A_109 = vector.load %arg4[%swap3A_107, %swap3A_108] : memref<1024x128xf32, #tpu.memory_space<vmem>>, vector<128x128xf32>
    tpu.vector_store %arg4[%swap3A_107, %swap3A_108], %add3A_106 {strides = array<i32>} : memref<1024x128xf32, #tpu.memory_space<vmem>>, vector<128x128xf32>,
    %slice3A_110 = vector.extract_strided_slice %transpose3A {offsets = [0, 3], sizes = [128, 1], strides = [1, 1]} : vector<128x8xf32> to vector<128x1xf32>
    %squeeze3A_111 = vector.shape_cast %slice3A_110 : vector<128x1xf32> to vector<128xf32>
    %broadcast_in_dim3A_112 = vector.shape_cast %squeeze3A_111 : vector<128xf32> to vector<128x1xf32>
    %broadcast_in_dim3A_113 = vector.broadcast %broadcast_in_dim3A_112 : vector<128x1xf32> to vector<128x128xf32>
    %slice3A_114 = vector.extract_strided_slice %transpose3A_18 {offsets = [0, 3], sizes = [128, 1], strides = [1, 1]} : vector<128x8xf32> to vector<128x1xf32>
    %squeeze3A_115 = vector.shape_cast %slice3A_114 : vector<128x1xf32> to vector<128xf32>
    %convert_element_type3A_116 = arith.fptosi %squeeze3A_115 : vector<128xf32> to vector<128xi32>
    %broadcast_in_dim3A_117 = vector.shape_cast %convert_element_type3A_116 : vector<128xi32> to vector<128x1xi32>
    %broadcast_in_dim3A_118 = vector.broadcast %broadcast_in_dim3A_117 : vector<128x1xi32> to vector<128x48xi32>
    %eq3A_119 = arith.cmpi eq, %iota3A, %broadcast_in_dim3A_118 : vector<128x48xi32>
    %add3A_120 = arith.constant 24 : i32
    %add3A_121 = vector.broadcast %add3A_120 : i32 to vector<128x48xi32>
    %add3A_122 = arith.addi %broadcast_in_dim3A_118, %add3A_121 : vector<128x48xi32>
    %eq3A_123 = arith.cmpi eq, %iota3A, %add3A_122 : vector<128x48xi32>
    %or3A_124 = arith.ori %eq3A_119, %eq3A_123 : vector<128x48xi1>
    %convert_element_type3A_125 = arith.extui %or3A_124 : vector<128x48xi1> to vector<128x48xi32>
    %convert_element_type3A_126 = arith.sitofp %convert_element_type3A_125 : vector<128x48xi32> to vector<128x48xf32>
    %convert_element_type3A_127 = arith.truncf %convert_element_type3A_126 : vector<128x48xf32> to vector<128x48xbf16>
    %dot_general3A_128 = arith.constant dense<0.000000e+00> : vector<128x128xf32>
    %dot_general3A_129 = tpu.matmul %convert_element_type3A_127, %get3A_24, %dot_general3A_128 {dimension_numbers = #tpu.dot_dimension_numbers<[1], [0], [0], [1], [0, 0, 1, 1], [], []>, transpose_lhs_hint = false} : vector<128x48xbf16>, vector<48x128xbf16>, vector<128x128xf32> -> vector<128x128xf32>
    %sub3A_130 = vector.broadcast %get3A_21 : vector<1x128xf32> to vector<128x128xf32>
    %sub3A_131 = arith.subf %broadcast_in_dim3A_113, %sub3A_130 : vector<128x128xf32>
    %mul3A_132 = arith.mulf %sub3A_131, %sub3A_131 : vector<128x128xf32>
    %neg3A_133 = arith.constant 0.000000e+00 : f32
    %neg3A_134 = vector.broadcast %neg3A_133 : f32 to vector<128x128xf32>
    %neg3A_135 = arith.subf %neg3A_134, %mul3A_132 : vector<128x128xf32>
    %exp3A_136 = math.exp %neg3A_135 : vector<128x128xf32>
    %add3A_137 = arith.addf %dot_general3A_129, %exp3A_136 : vector<128x128xf32>
    %swap3A_138 = arith.constant 384 : index
    %swap3A_139 = arith.constant 0 : index
    %swap3A_140 = vector.load %arg4[%swap3A_138, %swap3A_139] : memref<1024x128xf32, #tpu.memory_space<vmem>>, vector<128x128xf32>
    tpu.vector_store %arg4[%swap3A_138, %swap3A_139], %add3A_137 {strides = array<i32>} : memref<1024x128xf32, #tpu.memory_space<vmem>>, vector<128x128xf32>,
    %slice3A_141 = vector.extract_strided_slice %transpose3A {offsets = [0, 4], sizes = [128, 1], strides = [1, 1]} : vector<128x8xf32> to vector<128x1xf32>
    %squeeze3A_142 = vector.shape_cast %slice3A_141 : vector<128x1xf32> to vector<128xf32>
    %broadcast_in_dim3A_143 = vector.shape_cast %squeeze3A_142 : vector<128xf32> to vector<128x1xf32>
    %broadcast_in_dim3A_144 = vector.broadcast %broadcast_in_dim3A_143 : vector<128x1xf32> to vector<128x128xf32>
    %slice3A_145 = vector.extract_strided_slice %transpose3A_18 {offsets = [0, 4], sizes = [128, 1], strides = [1, 1]} : vector<128x8xf32> to vector<128x1xf32>
    %squeeze3A_146 = vector.shape_cast %slice3A_145 : vector<128x1xf32> to vector<128xf32>
    %convert_element_type3A_147 = arith.fptosi %squeeze3A_146 : vector<128xf32> to vector<128xi32>
    %broadcast_in_dim3A_148 = vector.shape_cast %convert_element_type3A_147 : vector<128xi32> to vector<128x1xi32>
    %broadcast_in_dim3A_149 = vector.broadcast %broadcast_in_dim3A_148 : vector<128x1xi32> to vector<128x48xi32>
    %eq3A_150 = arith.cmpi eq, %iota3A, %broadcast_in_dim3A_149 : vector<128x48xi32>
    %add3A_151 = arith.constant 24 : i32
    %add3A_152 = vector.broadcast %add3A_151 : i32 to vector<128x48xi32>
    %add3A_153 = arith.addi %broadcast_in_dim3A_149, %add3A_152 : vector<128x48xi32>
    %eq3A_154 = arith.cmpi eq, %iota3A, %add3A_153 : vector<128x48xi32>
    %or3A_155 = arith.ori %eq3A_150, %eq3A_154 : vector<128x48xi1>
    %convert_element_type3A_156 = arith.extui %or3A_155 : vector<128x48xi1> to vector<128x48xi32>
    %convert_element_type3A_157 = arith.sitofp %convert_element_type3A_156 : vector<128x48xi32> to vector<128x48xf32>
    %convert_element_type3A_158 = arith.truncf %convert_element_type3A_157 : vector<128x48xf32> to vector<128x48xbf16>
    %dot_general3A_159 = arith.constant dense<0.000000e+00> : vector<128x128xf32>
    %dot_general3A_160 = tpu.matmul %convert_element_type3A_158, %get3A_24, %dot_general3A_159 {dimension_numbers = #tpu.dot_dimension_numbers<[1], [0], [0], [1], [0, 0, 1, 1], [], []>, transpose_lhs_hint = false} : vector<128x48xbf16>, vector<48x128xbf16>, vector<128x128xf32> -> vector<128x128xf32>
    %sub3A_161 = vector.broadcast %get3A_21 : vector<1x128xf32> to vector<128x128xf32>
    %sub3A_162 = arith.subf %broadcast_in_dim3A_144, %sub3A_161 : vector<128x128xf32>
    %mul3A_163 = arith.mulf %sub3A_162, %sub3A_162 : vector<128x128xf32>
    %neg3A_164 = arith.constant 0.000000e+00 : f32
    %neg3A_165 = vector.broadcast %neg3A_164 : f32 to vector<128x128xf32>
    %neg3A_166 = arith.subf %neg3A_165, %mul3A_163 : vector<128x128xf32>
    %exp3A_167 = math.exp %neg3A_166 : vector<128x128xf32>
    %add3A_168 = arith.addf %dot_general3A_160, %exp3A_167 : vector<128x128xf32>
    %swap3A_169 = arith.constant 512 : index
    %swap3A_170 = arith.constant 0 : index
    %swap3A_171 = vector.load %arg4[%swap3A_169, %swap3A_170] : memref<1024x128xf32, #tpu.memory_space<vmem>>, vector<128x128xf32>
    tpu.vector_store %arg4[%swap3A_169, %swap3A_170], %add3A_168 {strides = array<i32>} : memref<1024x128xf32, #tpu.memory_space<vmem>>, vector<128x128xf32>,
    %slice3A_172 = vector.extract_strided_slice %transpose3A {offsets = [0, 5], sizes = [128, 1], strides = [1, 1]} : vector<128x8xf32> to vector<128x1xf32>
    %squeeze3A_173 = vector.shape_cast %slice3A_172 : vector<128x1xf32> to vector<128xf32>
    %broadcast_in_dim3A_174 = vector.shape_cast %squeeze3A_173 : vector<128xf32> to vector<128x1xf32>
    %broadcast_in_dim3A_175 = vector.broadcast %broadcast_in_dim3A_174 : vector<128x1xf32> to vector<128x128xf32>
    %slice3A_176 = vector.extract_strided_slice %transpose3A_18 {offsets = [0, 5], sizes = [128, 1], strides = [1, 1]} : vector<128x8xf32> to vector<128x1xf32>
    %squeeze3A_177 = vector.shape_cast %slice3A_176 : vector<128x1xf32> to vector<128xf32>
    %convert_element_type3A_178 = arith.fptosi %squeeze3A_177 : vector<128xf32> to vector<128xi32>
    %broadcast_in_dim3A_179 = vector.shape_cast %convert_element_type3A_178 : vector<128xi32> to vector<128x1xi32>
    %broadcast_in_dim3A_180 = vector.broadcast %broadcast_in_dim3A_179 : vector<128x1xi32> to vector<128x48xi32>
    %eq3A_181 = arith.cmpi eq, %iota3A, %broadcast_in_dim3A_180 : vector<128x48xi32>
    %add3A_182 = arith.constant 24 : i32
    %add3A_183 = vector.broadcast %add3A_182 : i32 to vector<128x48xi32>
    %add3A_184 = arith.addi %broadcast_in_dim3A_180, %add3A_183 : vector<128x48xi32>
    %eq3A_185 = arith.cmpi eq, %iota3A, %add3A_184 : vector<128x48xi32>
    %or3A_186 = arith.ori %eq3A_181, %eq3A_185 : vector<128x48xi1>
    %convert_element_type3A_187 = arith.extui %or3A_186 : vector<128x48xi1> to vector<128x48xi32>
    %convert_element_type3A_188 = arith.sitofp %convert_element_type3A_187 : vector<128x48xi32> to vector<128x48xf32>
    %convert_element_type3A_189 = arith.truncf %convert_element_type3A_188 : vector<128x48xf32> to vector<128x48xbf16>
    %dot_general3A_190 = arith.constant dense<0.000000e+00> : vector<128x128xf32>
    %dot_general3A_191 = tpu.matmul %convert_element_type3A_189, %get3A_24, %dot_general3A_190 {dimension_numbers = #tpu.dot_dimension_numbers<[1], [0], [0], [1], [0, 0, 1, 1], [], []>, transpose_lhs_hint = false} : vector<128x48xbf16>, vector<48x128xbf16>, vector<128x128xf32> -> vector<128x128xf32>
    %sub3A_192 = vector.broadcast %get3A_21 : vector<1x128xf32> to vector<128x128xf32>
    %sub3A_193 = arith.subf %broadcast_in_dim3A_175, %sub3A_192 : vector<128x128xf32>
    %mul3A_194 = arith.mulf %sub3A_193, %sub3A_193 : vector<128x128xf32>
    %neg3A_195 = arith.constant 0.000000e+00 : f32
    %neg3A_196 = vector.broadcast %neg3A_195 : f32 to vector<128x128xf32>
    %neg3A_197 = arith.subf %neg3A_196, %mul3A_194 : vector<128x128xf32>
    %exp3A_198 = math.exp %neg3A_197 : vector<128x128xf32>
    %add3A_199 = arith.addf %dot_general3A_191, %exp3A_198 : vector<128x128xf32>
    %swap3A_200 = arith.constant 640 : index
    %swap3A_201 = arith.constant 0 : index
    %swap3A_202 = vector.load %arg4[%swap3A_200, %swap3A_201] : memref<1024x128xf32, #tpu.memory_space<vmem>>, vector<128x128xf32>
    tpu.vector_store %arg4[%swap3A_200, %swap3A_201], %add3A_199 {strides = array<i32>} : memref<1024x128xf32, #tpu.memory_space<vmem>>, vector<128x128xf32>,
    %slice3A_203 = vector.extract_strided_slice %transpose3A {offsets = [0, 6], sizes = [128, 1], strides = [1, 1]} : vector<128x8xf32> to vector<128x1xf32>
    %squeeze3A_204 = vector.shape_cast %slice3A_203 : vector<128x1xf32> to vector<128xf32>
    %broadcast_in_dim3A_205 = vector.shape_cast %squeeze3A_204 : vector<128xf32> to vector<128x1xf32>
    %broadcast_in_dim3A_206 = vector.broadcast %broadcast_in_dim3A_205 : vector<128x1xf32> to vector<128x128xf32>
    %slice3A_207 = vector.extract_strided_slice %transpose3A_18 {offsets = [0, 6], sizes = [128, 1], strides = [1, 1]} : vector<128x8xf32> to vector<128x1xf32>
    %squeeze3A_208 = vector.shape_cast %slice3A_207 : vector<128x1xf32> to vector<128xf32>
    %convert_element_type3A_209 = arith.fptosi %squeeze3A_208 : vector<128xf32> to vector<128xi32>
    %broadcast_in_dim3A_210 = vector.shape_cast %convert_element_type3A_209 : vector<128xi32> to vector<128x1xi32>
    %broadcast_in_dim3A_211 = vector.broadcast %broadcast_in_dim3A_210 : vector<128x1xi32> to vector<128x48xi32>
    %eq3A_212 = arith.cmpi eq, %iota3A, %broadcast_in_dim3A_211 : vector<128x48xi32>
    %add3A_213 = arith.constant 24 : i32
    %add3A_214 = vector.broadcast %add3A_213 : i32 to vector<128x48xi32>
    %add3A_215 = arith.addi %broadcast_in_dim3A_211, %add3A_214 : vector<128x48xi32>
    %eq3A_216 = arith.cmpi eq, %iota3A, %add3A_215 : vector<128x48xi32>
    %or3A_217 = arith.ori %eq3A_212, %eq3A_216 : vector<128x48xi1>
    %convert_element_type3A_218 = arith.extui %or3A_217 : vector<128x48xi1> to vector<128x48xi32>
    %convert_element_type3A_219 = arith.sitofp %convert_element_type3A_218 : vector<128x48xi32> to vector<128x48xf32>
    %convert_element_type3A_220 = arith.truncf %convert_element_type3A_219 : vector<128x48xf32> to vector<128x48xbf16>
    %dot_general3A_221 = arith.constant dense<0.000000e+00> : vector<128x128xf32>
    %dot_general3A_222 = tpu.matmul %convert_element_type3A_220, %get3A_24, %dot_general3A_221 {dimension_numbers = #tpu.dot_dimension_numbers<[1], [0], [0], [1], [0, 0, 1, 1], [], []>, transpose_lhs_hint = false} : vector<128x48xbf16>, vector<48x128xbf16>, vector<128x128xf32> -> vector<128x128xf32>
    %sub3A_223 = vector.broadcast %get3A_21 : vector<1x128xf32> to vector<128x128xf32>
    %sub3A_224 = arith.subf %broadcast_in_dim3A_206, %sub3A_223 : vector<128x128xf32>
    %mul3A_225 = arith.mulf %sub3A_224, %sub3A_224 : vector<128x128xf32>
    %neg3A_226 = arith.constant 0.000000e+00 : f32
    %neg3A_227 = vector.broadcast %neg3A_226 : f32 to vector<128x128xf32>
    %neg3A_228 = arith.subf %neg3A_227, %mul3A_225 : vector<128x128xf32>
    %exp3A_229 = math.exp %neg3A_228 : vector<128x128xf32>
    %add3A_230 = arith.addf %dot_general3A_222, %exp3A_229 : vector<128x128xf32>
    %swap3A_231 = arith.constant 768 : index
    %swap3A_232 = arith.constant 0 : index
    %swap3A_233 = vector.load %arg4[%swap3A_231, %swap3A_232] : memref<1024x128xf32, #tpu.memory_space<vmem>>, vector<128x128xf32>
    tpu.vector_store %arg4[%swap3A_231, %swap3A_232], %add3A_230 {strides = array<i32>} : memref<1024x128xf32, #tpu.memory_space<vmem>>, vector<128x128xf32>,
    %slice3A_234 = vector.extract_strided_slice %transpose3A {offsets = [0, 7], sizes = [128, 1], strides = [1, 1]} : vector<128x8xf32> to vector<128x1xf32>
    %squeeze3A_235 = vector.shape_cast %slice3A_234 : vector<128x1xf32> to vector<128xf32>
    %broadcast_in_dim3A_236 = vector.shape_cast %squeeze3A_235 : vector<128xf32> to vector<128x1xf32>
    %broadcast_in_dim3A_237 = vector.broadcast %broadcast_in_dim3A_236 : vector<128x1xf32> to vector<128x128xf32>
    %slice3A_238 = vector.extract_strided_slice %transpose3A_18 {offsets = [0, 7], sizes = [128, 1], strides = [1, 1]} : vector<128x8xf32> to vector<128x1xf32>
    %squeeze3A_239 = vector.shape_cast %slice3A_238 : vector<128x1xf32> to vector<128xf32>
    %convert_element_type3A_240 = arith.fptosi %squeeze3A_239 : vector<128xf32> to vector<128xi32>
    %broadcast_in_dim3A_241 = vector.shape_cast %convert_element_type3A_240 : vector<128xi32> to vector<128x1xi32>
    %broadcast_in_dim3A_242 = vector.broadcast %broadcast_in_dim3A_241 : vector<128x1xi32> to vector<128x48xi32>
    %eq3A_243 = arith.cmpi eq, %iota3A, %broadcast_in_dim3A_242 : vector<128x48xi32>
    %add3A_244 = arith.constant 24 : i32
    %add3A_245 = vector.broadcast %add3A_244 : i32 to vector<128x48xi32>
    %add3A_246 = arith.addi %broadcast_in_dim3A_242, %add3A_245 : vector<128x48xi32>
    %eq3A_247 = arith.cmpi eq, %iota3A, %add3A_246 : vector<128x48xi32>
    %or3A_248 = arith.ori %eq3A_243, %eq3A_247 : vector<128x48xi1>
    %convert_element_type3A_249 = arith.extui %or3A_248 : vector<128x48xi1> to vector<128x48xi32>
    %convert_element_type3A_250 = arith.sitofp %convert_element_type3A_249 : vector<128x48xi32> to vector<128x48xf32>
    %convert_element_type3A_251 = arith.truncf %convert_element_type3A_250 : vector<128x48xf32> to vector<128x48xbf16>
    %dot_general3A_252 = arith.constant dense<0.000000e+00> : vector<128x128xf32>
    %dot_general3A_253 = tpu.matmul %convert_element_type3A_251, %get3A_24, %dot_general3A_252 {dimension_numbers = #tpu.dot_dimension_numbers<[1], [0], [0], [1], [0, 0, 1, 1], [], []>, transpose_lhs_hint = false} : vector<128x48xbf16>, vector<48x128xbf16>, vector<128x128xf32> -> vector<128x128xf32>
    %sub3A_254 = vector.broadcast %get3A_21 : vector<1x128xf32> to vector<128x128xf32>
    %sub3A_255 = arith.subf %broadcast_in_dim3A_237, %sub3A_254 : vector<128x128xf32>
    %mul3A_256 = arith.mulf %sub3A_255, %sub3A_255 : vector<128x128xf32>
    %neg3A_257 = arith.constant 0.000000e+00 : f32
    %neg3A_258 = vector.broadcast %neg3A_257 : f32 to vector<128x128xf32>
    %neg3A_259 = arith.subf %neg3A_258, %mul3A_256 : vector<128x128xf32>
    %exp3A_260 = math.exp %neg3A_259 : vector<128x128xf32>
    %add3A_261 = arith.addf %dot_general3A_253, %exp3A_260 : vector<128x128xf32>
    %swap3A_262 = arith.constant 896 : index
    %swap3A_263 = arith.constant 0 : index
    %swap3A_264 = vector.load %arg4[%swap3A_262, %swap3A_263] : memref<1024x128xf32, #tpu.memory_space<vmem>>, vector<128x128xf32>
    tpu.vector_store %arg4[%swap3A_262, %swap3A_263], %add3A_261 {strides = array<i32>} : memref<1024x128xf32, #tpu.memory_space<vmem>>, vector<128x128xf32>,
    return
  }
  func.func @transform_0(%arg0: i32) -> (i32, i32) {
    %c0_i32 = arith.constant 0 : i32
    %c0_i32_0 = arith.constant 0 : i32
    return %arg0, %c0_i32 : i32, i32
  }
  func.func @transform_1(%arg0: i32) -> (i32, i32) {
    %c0_i32 = arith.constant 0 : i32
    %c0_i32_0 = arith.constant 0 : i32
    %c0_i32_1 = arith.constant 0 : i32
    return %c0_i32, %c0_i32_0 : i32, i32
  }
  func.func @transform_2(%arg0: i32) -> (i32, i32) {
    %c0_i32 = arith.constant 0 : i32
    %c0_i32_0 = arith.constant 0 : i32
    %c0_i32_1 = arith.constant 0 : i32
    return %c0_i32, %c0_i32_0 : i32, i32
  }
  func.func @transform_3(%arg0: i32) -> (i32, i32) {
    %c0_i32 = arith.constant 0 : i32
    %c0_i32_0 = arith.constant 0 : i32
    return %arg0, %c0_i32 : i32, i32
  }
}

</mosaic_0001>

<sc_bundles>
// kernel: sparse-core-data-format-call.cloned.1.call-start
scs
called_computation_lowered:
.L_overlay_start_0:
0x0: {  	s2 =	sld [smem:$0x3FD9]  }
0x1: {  	s3 =	sld [smem:$0x3FFE];
	_ =	sdelay $0x1  }
0x2: {  	s1 =	srdreg.scid  }
0x3: {  	s0 =	sand.u32 $0x1, s1  }
0x4: {  	s18 =	sshll.u32 s0, $0xA;
	s2 =	sadd.s32 s3, s2  }
0x5: {  	s2 =	sadd.s32 s2, s18  }
0x6: {  	[smem:$0x3FC5] =	sst s2  }
0x7: {  	_ = 	snop  }
0x8: {  	s2 =	sld [smem:$0x3FD0];
	(tm) =	ssettm $0x1  }
0x9: {  	s19 =	sld [smem:$0x3FFB];
	_ =	sdelay $0x3  }
0xa: {  	_ =	strace s19  }
0xb: {  	s3 =	sld [smem:$0x3FFC];
	_ =	sdelay $0x3  }
0xc: {  	_ =	strace s3  }
0xd: {  	s3 =	sld [smem:$0x3FFD];
	_ =	sdelay $0x3  }
0xe: {  	_ =	strace s3  }
0xf: {  	_ =	strace $0x8FFFFFFF  }
0x10: {  	s20 =	sld [smem:$0x3FDB];
	_ =	sdelay $0x1  }
0x11: {  	s4 =	simm.s32 $_scs_section_size  }
0x12: {  	s5 =	simm.s32 $_size__tile_overlayer_lowered;
	s6 =	simm.s32 $_tile_overlayer_lowered  }
0x13: {  	s23 =	simm.s32 $0x1BFF;
	s22 =	sshll.u32 s6, $0x1;
	s3 =	sadd.s32 s4, s20  }
0x14: {  	s7 =	simm.s32 $0x0;
	s21 =	sshll.u32 s5, $0x1;
	s5 =	sadd.s32 s22, s3  }
0x15: {  	[timem:s7], [sflag:s23] =	dma.local [hbm:s5], s21  }
0x16: {  	_ =	swait.ge [sflag:s23], s21  }
0x17: {  	s4 =	ssub.s32 $0x0, s21;
	[sflag:s23] =	ssyncset.done $0x0  }
0x18: {  	[sflag:s23] =	ssyncadd.s32 s4;
	_ =	sdelay $0x1  }
0x19: {  	s24 =	simm.s32 $0x1B8B  }
0x1a: {  	_ =	swait.ge [sflag:s24], $0x1  }
0x1b: {  	[sflag:s24] =	ssyncset.done $0x0  }
0x1c: {  	s26 =	simm.s32 $0x1B8E;
	s25 =	sld [smem:$0x3FFE];
	[sflag:s24] =	ssyncadd.s32 $0xFFFFFFFF  }
0x1d: {  	s27 =	simm.s32 $execute0_lowered;
	[smem:$0x3FD2] =	sst s26  }
0x1e: {  	s5 =	sshll.u32 s27, $0x1;
	_ =	strace $0x80000046;
	[dreg:$0x1] =	wrdreg $0xFFFFFFFF  }
0x1f: {  	s28 =	simm.s32 $_size_execute0_lowered;
	s3 =	sadd.s32 s3, s5;
	[dreg:$0x0] =	wrdreg $0x0  }
0x20: {  	s5 =	sshll.u32 s28, $0x1;
	[dreg:$0x2] =	wrdreg s3  }
0x21: {  	[dreg:$0x3] =	wrdreg s5  }
0x22: {  	[dreg:$0x4] =	wrdreg $0xC0  }
0x23: {  	_ =	task [dreg:s7], $0x5FFFF  }
0x24: {  	[dreg:$0x1] =	wrdreg $0xFFFFFFFF  }
0x25: {  	[dreg:$0x0] =	wrdreg $0x60  }
0x26: {  	[dreg:$0x2] =	wrdreg s25  }
0x27: {  	[dreg:$0x3] =	wrdreg s2  }
0x28: {  	[dreg:$0x4] =	wrdreg $0x9  }
0x29: {  	_ =	task.clear_ibuf [dreg:s7], $0x5FFFF;
	_ =	strace $0x90000046  }
0x2a: {  	s29 =	simm.s32 $0x9;
	_ =	strace $0x80000048  }
0x2b: {  	_ =	swait.ge [sflag:s29], $0x1  }
0x2c: {  	[sflag:s29] =	ssyncadd.s32 $0xFFFFFFFF  }
0x2d: {  	_ =	strace $0x90000048  }
0x2e: {  	_ =	sfence  }
0x2f: {  	s30 =	sld [smem:$0x0];
	_ =	sdelay $0x2  }
0x30: {  	s31 =	sshll.u32 s1, $0xD;
	s1 =	sshrl.u32 s1, $0x2  }
0x31: {  	s3 =	sand.u32 $0x4000, s31;
	s1 =	sadd.s32 s1, s30  }
0x32: {  	s0 =	sor.u32 s3, s0;
	s1 =	sshll.u32 s1, $0x11  }
0x33: {  	s0 =	sor.u32 s1, s0  }
0x34: {  	s0 =	sadd.s32 $0x8F2B, s0  }
0x35: {  	[sflag:s0] =	ssyncadd.remote.s32 $0x1  }
0x36: {  	_ =	sfence.sel $0xFFFF  }
0x37: {  	[dreg:$0x0] =	wrdreg $0xFFFFFFFF;
	(pc) =	sbr.abs _section_cstart, $3  }
0x38: {  	[dreg:$0x1] =	wrdreg $0xFFFFFFFF  }
0x39: {  	_ =	task.clear_ibuf [dreg:s7], $0x2FFFF;
	_ =	strace $0x9FFFFFFF  }
0x3a: {  	(tm) =	ssettm $0x7FFFFFFF  }
0x3b: {  	_ =	shalt  }
tec
execute0_lowered:
.L_overlay_start_1:
0x0: {  	(tag) =	ssettag $0x1  }
0x1: {  	s0 =	srdreg.scid  }
0x2: {  	s1 =	sshll.u32 s0, $0x4  }
0x3: {  	s0 =	stileid.u32;
	s1 =	sand.u32 $0x10, s1  }
0x4: {  	s1 =	sor.u32 s0, s1  }
0x5: {  	s6 =	rddreg [dreg:$0x0];
	s4 =	simm.s32 $0x1;
	s2 =	sshll.u32 s1, $0x6  }
0x6: {  	s7 =	simm.s32 $0x2;
	s13 =	simm.s32 $0x0;
	s1 =	ssub.s32 $0x4000, s2  }
0x7: {  	s8 =	simm.s32 $0x2000;
	s9 =	simm.s32 $0x200000;
	s3 =	sand.u32 $0x7C0, s1  }
0x8: {  	s14 =	simm.s32 $0x0;
	s5 =	sshrl.u32 s1, $0xB;
	p0 =	sne.s32 s3, $0x0  }
.Ltmp0:
0x9: {  	s1 =	rddreg [dreg:$0x2];
	s4 =	simm.s32 @!p0 $0x0;
	(pc) =	sbr.rel .LBB1_1-.Ltmp0, $4  }
0xa: {  	s10 =	simm.s32 $0x0;
	s3 =	rddreg [dreg:$0x1];
	s5 =	sadd.s32 s4, s5  }
0xb: {  	_ =	strace $0x80000047;
	s4 =	simm.s32 $0x1;
	s5 =	smul.u32 $0x19, s5  }
0xc: {  	s12 =	simm.s32 $0x0;
	s6 =	sadd.s32 $0x600, s6;
	[sflag:s4] =	ssyncpa.u1 $0x0  }
0xd: {  	s11 =	smov.u32 s2;
	[sflag:s7] =	ssyncpa.u1 $0x0;
	s7 =	sadd.s32 $0x1, s5  }
.LBB1_7:
0xe: {  	s15 =	sadd.s32 $0x2, s10  }
0xf: {  	s13 =	sadd.s32 $0x800, s11;
	s17 =	smov.u32 s11;
	p1 =	sgt.s32 s15, $0x31  }
0x10: {  	s17 =	smov.u32 @p1 s13  }
0x11: {  	s15 =	simm.s32 @p1 $0x0;
	p1 =	sgt.s32 s17, $0x3FFF  }
0x12: {  	s17 =	smov.u32 @p1 s2;
	p1 =	sne.s32 s12, s7  }
.Ltmp1:
0x13: {  	p0 =	slt.u32 s12, $0x2;
	(pc) =	sbr.rel @!p1 .LBB1_8-.Ltmp1, $4  }
0x14: {  	s16 =	simm.s32 @!p0 $0x2  }
0x15: {  	s14 =	smov.u32 s11;
	_ =	swait.ge @!p0 [sflag:s16], $0x4000  }
0x16: {  	s13 =	smov.u32 s10;
	[sflag:s16] =	ssyncset.done @!p0 $0x0;
	s10 =	smov.u32 s15  }
0x17: {  	s12 =	sadd.s32 $0x1, s12;
	[sflag:s16] =	ssyncadd.s32 @!p0 $0xFFFFC000;
	s11 =	smov.u32 s17  }
.LBB1_1:
0x18: {  	p0 =	sge.u32 s12, s5  }
0x19: {  	s15 =	sand.u32 @!p0 $0x1FFFFFF, s10  }
0x1a: {  	s16 =	smulhi.u32 @!p0 $0x4924925, s15;
	_ =	sdelay $0x1  }
0x1b: {  	s16 =	smul.u32 @!p0 $0x38, s16  }
0x1c: {  	s17 =	sxor.u32 @!p0 $0xFFFFFFFF, s12;
	s18 =	smul.u32 @!p0 $0x380, s11  }
0x1d: {  	s31 =	sadd.s32 $0xFFFFFFFF, s12;
	s17 =	sshll.u32 @!p0 s17, $0xE;
	s15 =	ssub.s32 @!p0 s15, s16  }
0x1e: {  	s16 =	sand.u32 @!p0 $0x4000, s17;
	s17 =	sadd.s32 @!p0 s6, s18;
	s15 =	sshll.u32 @!p0 s15, $0x4  }
0x1f: {  	s18 =	simm.s32 @!p0 $0x1C00;
	s15 =	sadd.s32 @!p0 s15, s17;
	s17 =	simm.s32 @!p0 $0x100  }
0x20: {  	[tilespmem:s16], [sflag:$0x1] =	stream.strided.gather @!p0 [hbm4b:s15+s17], $0x4000, s18, s17, $0x38;
	[tilespmem:$0x10000] =	vst v63  }
0x21: {  	p0 =	sge.u32 s31, s5  }
.Ltmp2:
0x22: {  	_ = 	snop;
	(pc) =	sbr.rel @p0 .LBB1_7-.Ltmp2, $1  }
0x23: {  	_ =	sdelay $0x3  }
0x24: {  	_ =	swait.ge [sflag:s4], $0x4000;
	s15 =	sshll.u32 s12, $0xE  }
0x25: {  	[sflag:s4] =	ssyncset.done $0x0;
	s16 =	sand.u32 $0x4000, s15  }
0x26: {  	s17 =	simm.s32 $0x0;
	[sflag:s4] =	ssyncadd.s32 $0xFFFFC000;
	s15 =	sor.u32 $0x8000, s16  }
.LBB1_3:
0x27: {  	s18 =	sshll.u32 s17, $0x8  }
0x28: {  	s18 =	sand.u32 $0x3FFFFF00, s18  }
0x29: {  	s19 =	sshll.u32 s17, $0x7;
	s18 =	sadd.s32 s18, s16  }
0x2a: {  	s19 =	sand.u32 $0x3FFFFF80, s19;
	v0 =	vmov s18  }
0x2b: {  	s19 =	sadd.s32 s19, s15  }
0x2c: {  	p0 =	por $0x1, $0x1;
	v1 =	vmov s19;
	s18 =	simm.s32 $0x0  }
.LBB1_4:
0x2d: {  	s19 =	sshll.u32 s18, $0x7  }
0x2e: {  	s19 =	sand.u32 $0x3FFFFF80, s19  }
0x2f: {  	v2 =	vld.idx.msk [tilespmem:v0+s19+$0x0 ss:$0x1], $0xffff  }
0x30: {  	v3 =	vld.idx.msk [tilespmem:v0+s19+$0x10 ss:$0x1], $0xffff  }
0x31: {  	v4 =	vld.idx.msk [tilespmem:v0+s19+$0x20 ss:$0x1], $0xffff  }
0x32: {  	s31 =	sshll.u32 s18, $0xD;
	v5 =	vld.idx.msk [tilespmem:v0+s19+$0x30 ss:$0x1], $0xffff  }
0x33: {  	s18 =	sand.u32 $0x3FFFE000, s31;
	v6 =	vld.idx.msk [tilespmem:v0+s19+$0x40 ss:$0x1], $0xffff  }
0x34: {  	v63 =	vld.idx.msk [tilespmem:v0+s19+$0x70 ss:$0x1], $0xffff;
	[tilespmem:v1+s18+$0x0 ss:$0x1] =	vst.idx.msk $0xffff, v2  }
0x35: {  	v2 =	vld.idx.msk [tilespmem:v0+s19+$0x50 ss:$0x1], $0xffff;
	[tilespmem:v1+s18+$0x10 ss:$0x1] =	vst.idx.msk $0xffff, v3  }
0x36: {  	p1 =	por p0, p0;
	v3 =	vld.idx.msk [tilespmem:v0+s19+$0x60 ss:$0x1], $0xffff;
	[tilespmem:v1+s18+$0x20 ss:$0x1] =	vst.idx.msk $0xffff, v4  }
.Ltmp3:
0x37: {  	[tilespmem:v1+s18+$0x30 ss:$0x1] =	vst.idx.msk $0xffff, v5;
	(pc) =	sbr.rel @p1 .LBB1_4-.Ltmp3, $4  }
0x38: {  	[tilespmem:v1+s18+$0x40 ss:$0x1] =	vst.idx.msk $0xffff, v6  }
0x39: {  	[tilespmem:v1+s18+$0x70 ss:$0x1] =	vst.idx.msk $0xffff, v63  }
0x3a: {  	[tilespmem:v1+s18+$0x50 ss:$0x1] =	vst.idx.msk $0xffff, v2  }
0x3b: {  	p0 =	por $0x0, $0x0;
	[tilespmem:v1+s18+$0x60 ss:$0x1] =	vst.idx.msk $0xffff, v3;
	s18 =	simm.s32 $0x1  }
0x3c: {  	s17 =	sadd.s32 $0x1, s17  }
0x3d: {  	p0 =	sne.s32 s17, $0x40  }
.Ltmp4:
0x3e: {  	_ = 	snop;
	(pc) =	sbr.rel @p0 .LBB1_3-.Ltmp4, $1  }
0x3f: {  	_ =	sdelay $0x3  }
.Ltmp5:
0x40: {  	s14 =	sshll.u32 s14, $0x4;
	(pc) =	sbr.rel .LBB1_7-.Ltmp5, $4  }
0x41: {  	s14 =	sand.u32 $0x3FFF0, s14  }
0x42: {  	s13 =	sshll.u32 s13, $0x12;
	s14 =	sadd.s32 s3, s14  }
0x43: {  	s13 =	sadd.s32 s13, s14  }
0x44: {  	[hbm4b:s13+s8] =	stream.strided.scatter [tilespmem:s15], [sflag:$0x2], $0x4000, s9, s8, $0x38;
	[tilespmem:$0x10000] =	vst v63  }
.LBB1_8:
0x45: {  	_ =	sfence.sel $0x180000  }
0x46: {  	s2 =	simm.s32 $0x1;
	[bflag:$0x0] =	sbarrier.arrive $0xFFFF  }
0x47: {  	s31 =	simm.s32 $0x2;
	[sflag:s2] =	ssyncpa.u1 $0x1  }
0x48: {  	[sflag:s31] =	ssyncpa.u1 $0x1  }
0x49: {  	p0 =	sne.s32 s0, $0x0;
	_ =	strace $0x90000047  }
0x4a: {  	s0 =	sadd.s32 @!p0 $0x100000, s1;
	[bflag:$0x2] =	sbarrier.arrive $0xFFFF  }
0x4b: {  	[sflag:s0] =	ssyncadd.tile.s32 @!p0 $0x1;
	_ =	shalt  }
.Lfunc_end1:
_tile_overlayer_lowered:
.L_overlay_start_2:
0x4c: {  	(tag) =	ssettag $0x2  }
0x4d: {  	s0 =	rddreg [dreg:$0x0];
	s2 =	stileid.u32  }
0x4e: {  	s1 =	rddreg [dreg:$0x1];
	p0 =	sne.s32 s2, $0x0  }
0x4f: {  	s3 =	rddreg [dreg:$0x2];
	[bflag:$0x3] =	sbarrier.arrive $0xFFFF;
	s2 =	simm.s32 @!p0 $0x1C01  }
0x50: {  	[timem:s3], [sflag:s2] =	dma.local @!p0 [hbm:s0], s1  }
0x51: {  	s0 =	simm.s32 @!p0 $0x1  }
0x52: {  	_ =	swait.ge @!p0 [sflag:s0], s1  }
0x53: {  	s1 =	ssub.s32 @!p0 $0x0, s1;
	[sflag:s0] =	ssyncset.done @!p0 $0x0  }
0x54: {  	[sflag:s0] =	ssyncadd.s32 @!p0 s1  }
0x55: {  	[bflag:$0x3] =	sbarrier.arrive $0xFFFF  }
0x56: {  	_ =	shalt  }

</sc_bundles>
